<compile_context>
chip_gen: v7x
topology: tpu7x:2x2x1
jax: 0.10.2.dev20260603
libtpu: 0.0.44.dev20260713+nightly
codegen_flags: <defaults>
</compile_context>

<pallas_src>
import functools

import jax
import jax.numpy as jnp
from jax import lax
from jax.experimental import pallas as pl
from jax.experimental.pallas import tpu as pltpu
from jax.experimental.pallas import tpu_sc as plsc

N_ATOMS = 320000
DEPTH = 128
N_SEG = 10000
N_SEG_PAD = 10240

NUM_CORES = 2
NUM_SUBCORES = 16
NW = NUM_CORES * NUM_SUBCORES
PER_W = N_ATOMS // NW
CHUNK = 80
N_CHUNK = PER_W // CHUNK
BLOCK = 80
CPB = BLOCK // CHUNK
N_BLOCK = PER_W // BLOCK
SEG_PER_TILE = N_SEG_PAD // NUM_SUBCORES


def _sc_partial_segsum(outputs, idx3, zeros_hbm):
    mesh = plsc.VectorSubcoreMesh(core_axis_name="c", subcore_axis_name="s")

    @functools.partial(
        pl.kernel,
        out_type=jax.ShapeDtypeStruct((NUM_CORES, N_SEG_PAD, DEPTH), jnp.float32),
        mesh=mesh,
        scratch_types=[
            pltpu.VMEM((N_CHUNK, CHUNK), jnp.int32),
            pltpu.VMEM((BLOCK, DEPTH), jnp.float32),
            pltpu.VMEM_SHARED((N_SEG_PAD, DEPTH), jnp.float32),
        ],
    )
    def k(rows_hbm, idx_hbm, zero_hbm, out_hbm, idx_v, rows_v, acc_sh):
        cid = lax.axis_index("c")
        sid = lax.axis_index("s")
        wid = cid * NUM_SUBCORES + sid
        base = wid * PER_W

        pltpu.sync_copy(zero_hbm.at[pl.ds(sid * SEG_PER_TILE, SEG_PER_TILE)],
                        acc_sh.at[pl.ds(sid * SEG_PER_TILE, SEG_PER_TILE)])
        pltpu.sync_copy(idx_hbm.at[wid], idx_v)
        plsc.subcore_barrier()

        def block_body(i, carry):
            pltpu.sync_copy(rows_hbm.at[pl.ds(base + i * BLOCK, BLOCK)], rows_v)
            def chunk_body(b, carry2):
                pltpu.sync_copy(rows_v.at[pl.ds(b * CHUNK, CHUNK)],
                                acc_sh.at[idx_v.at[i * CPB + b]],
                                add=True)
                return carry2
            return lax.fori_loop(0, CPB, chunk_body, carry)

        lax.fori_loop(0, N_BLOCK, block_body, 0)
        plsc.subcore_barrier()

        pltpu.sync_copy(acc_sh.at[pl.ds(sid * SEG_PER_TILE, SEG_PER_TILE)],
                        out_hbm.at[cid].at[pl.ds(sid * SEG_PER_TILE, SEG_PER_TILE)])

    return k(outputs, idx3, zeros_hbm)


def _combine_kernel(p_ref, o_ref):
    o_ref[...] = p_ref[0] + p_ref[1]


def _combine(partials):
    grid = 10
    rows = N_SEG // grid
    return pl.pallas_call(
        _combine_kernel,
        grid=(grid,),
        in_specs=[pl.BlockSpec((NUM_CORES, rows, DEPTH), lambda i: (0, i, 0))],
        out_specs=pl.BlockSpec((rows, DEPTH), lambda i: (i, 0)),
        out_shape=jax.ShapeDtypeStruct((N_SEG, DEPTH), jnp.float32),
    )(partials)


def kernel(outputs, atom_split):
    idx3 = atom_split.astype(jnp.int32).reshape(NW, N_CHUNK, CHUNK)
    zeros_hbm = jnp.zeros((N_SEG_PAD, DEPTH), jnp.float32)
    partials = _sc_partial_segsum(outputs, idx3, zeros_hbm)
    return _combine(partials)

# --- scband reference (transcript-rebuilt; emitter-appended) ---
"""Pipeline reference for scband-weave-gather-74732430950922 (READ-ONLY COPY).

The authoritative reference and input builder live on the scoring server;
editing this copy changes nothing except your own understanding.
"""

import jax, jax.numpy as jnp
import numpy as np

N_ATOMS = 320000
CONV_OUT_DEPTH = 128
NUM_SEGMENTS = 10000


def setup_inputs(seed: int = 0) -> dict:
    key = jax.random.key(seed)
    k1, k2 = jax.random.split(key)
    outputs = jax.random.normal(k1, (N_ATOMS, CONV_OUT_DEPTH), dtype=jnp.float32)
    atom_split = jnp.sort(jax.random.randint(k2, (N_ATOMS,), 0, NUM_SEGMENTS)).astype(jnp.int64)
    return {"outputs": outputs, "atom_split": atom_split}


def reference(outputs, atom_split):
    # WeaveGather.forward with gaussian_expand=False:
    #   output_molecules = segment_sum(outputs, atom_split)
    # (linear + activation branch is skipped when gaussian_expand is False)
    output_molecules = jax.ops.segment_sum(outputs, atom_split, num_segments=NUM_SEGMENTS)
    return output_molecules

if __name__ == "__main__":
    import jax
    _d = setup_inputs()
    print(jax.jit(kernel)(*tuple(_d.values())))

</pallas_src>

<mosaic_0001>
#map = affine_map<(d0, d1) -> (0, 0)>
#map1 = affine_map<(d0, d1) -> (0, 0, 0)>
module attributes {stable_mosaic.version = 14 : i64} {
  func.func @k(%arg0: i32, %arg1: i32, %arg2: memref<320000x128xf32, #tpu.memory_space<hbm>>, %arg3: memref<32x125x80xi32, #tpu.memory_space<hbm>>, %arg4: memref<10240x128xf32, #tpu.memory_space<hbm>>, %arg5: memref<2x10240x128xf32, #tpu.memory_space<hbm>>, %arg6: memref<125x80xi32, #tpu.memory_space<vmem>>, %arg7: memref<80x128xf32, #tpu.memory_space<vmem>>, %arg8: memref<10240x128xf32, #tpu.memory_space<vmem_shared>>) attributes {dimension_semantics = [#tpu.dimension_semantics<core_parallel>, #tpu.dimension_semantics<subcore_parallel>], iteration_bounds = array<i64: 2, 16>, scalar_prefetch = 0 : i64, scratch_operands = 3 : i64, tpu.core_type = #tpu.core_type<sc_vector_subcore>, window_params = [{transform_indices = #map}, {transform_indices = #map1}, {transform_indices = #map}, {transform_indices = #map1}]} {
    %mul3A = arith.constant 16 : i32
    %mul3A_0 = arith.muli %arg0, %mul3A : i32
    %add3A = arith.addi %mul3A_0, %arg1 : i32
    %mul3A_1 = arith.constant 10000 : i32
    %mul3A_2 = arith.muli %add3A, %mul3A_1 : i32
    %mul3A_3 = arith.constant 640 : i32
    %mul3A_4 = arith.muli %arg1, %mul3A_3 : i32
    %mul3A_5 = arith.constant 640 : i32
    %mul3A_6 = arith.muli %arg1, %mul3A_5 : i32
    "tpu.region"() ({
      %run_scoped3A = tpu.sem_alloc : memref<!tpu.dma_semaphore, #tpu.memory_space<semaphore_mem>>
      %dma_start3A = arith.constant 0 : i32
      %dma_start3A_17 = tpu.memref_slice %arg8[%mul3A_6, %dma_start3A] : memref<10240x128xf32, #tpu.memory_space<vmem_shared>> -> memref<640x128xf32, #tpu.memory_space<vmem_shared>>
      %dma_start3A_18 = arith.constant 0 : i32
      %dma_start3A_19 = tpu.memref_slice %arg4[%mul3A_4, %dma_start3A_18] : memref<10240x128xf32, #tpu.memory_space<hbm>> -> memref<640x128xf32, #tpu.memory_space<hbm>>
      tpu.enqueue_dma source(%dma_start3A_19 : memref<640x128xf32, #tpu.memory_space<hbm>>) target(%dma_start3A_17 : memref<640x128xf32, #tpu.memory_space<vmem_shared>>) target_semaphore(%run_scoped3A : memref<!tpu.dma_semaphore, #tpu.memory_space<semaphore_mem>>)
      %dma_wait3A = arith.constant 0 : i32
      %dma_wait3A_20 = tpu.memref_slice %arg8[%mul3A_6, %dma_wait3A] : memref<10240x128xf32, #tpu.memory_space<vmem_shared>> -> memref<640x128xf32, #tpu.memory_space<vmem_shared>>
      %dma_wait3A_21 = arith.constant 0 : i32
      %dma_wait3A_22 = tpu.memref_slice %arg4[%mul3A_4, %dma_wait3A_21] : memref<10240x128xf32, #tpu.memory_space<hbm>> -> memref<640x128xf32, #tpu.memory_space<hbm>>
      tpu.wait_dma2 semaphore(%run_scoped3A : memref<!tpu.dma_semaphore, #tpu.memory_space<semaphore_mem>>) src(%dma_wait3A_22 : memref<640x128xf32, #tpu.memory_space<hbm>>) dst(%dma_wait3A_20 : memref<640x128xf32, #tpu.memory_space<vmem_shared>>)
      tpu.yield
    }) : () -> ()
    "tpu.region"() ({
      %run_scoped3A = tpu.sem_alloc : memref<!tpu.dma_semaphore, #tpu.memory_space<semaphore_mem>>
      %dma_start3A = arith.constant 0 : i32
      %dma_start3A_17 = arith.constant 0 : i32
      %dma_start3A_18 = tpu.memref_slice %arg3[%add3A, %dma_start3A, %dma_start3A_17] : memref<32x125x80xi32, #tpu.memory_space<hbm>> -> memref<1x125x80xi32, #tpu.memory_space<hbm>>
      %dma_start3A_19 = tpu.memref_squeeze %dma_start3A_18 : memref<1x125x80xi32, #tpu.memory_space<hbm>> -> memref<125x80xi32, #tpu.memory_space<hbm>>
      %dma_start3A_20 = arith.constant 0 : i32
      %dma_start3A_21 = arith.constant 0 : i32
      %dma_start3A_22 = tpu.memref_slice %arg3[%add3A, %dma_start3A_20, %dma_start3A_21] : memref<32x125x80xi32, #tpu.memory_space<hbm>> -> memref<1x125x80xi32, #tpu.memory_space<hbm>>
      %dma_start3A_23 = tpu.memref_squeeze %dma_start3A_22 : memref<1x125x80xi32, #tpu.memory_space<hbm>> -> memref<125x80xi32, #tpu.memory_space<hbm>>
      tpu.enqueue_dma source(%dma_start3A_23 : memref<125x80xi32, #tpu.memory_space<hbm>>) target(%arg6 : memref<125x80xi32, #tpu.memory_space<vmem>>) target_semaphore(%run_scoped3A : memref<!tpu.dma_semaphore, #tpu.memory_space<semaphore_mem>>)
      %dma_wait3A = arith.constant 0 : i32
      %dma_wait3A_24 = arith.constant 0 : i32
      %dma_wait3A_25 = tpu.memref_slice %arg3[%add3A, %dma_wait3A, %dma_wait3A_24] : memref<32x125x80xi32, #tpu.memory_space<hbm>> -> memref<1x125x80xi32, #tpu.memory_space<hbm>>
      %dma_wait3A_26 = tpu.memref_squeeze %dma_wait3A_25 : memref<1x125x80xi32, #tpu.memory_space<hbm>> -> memref<125x80xi32, #tpu.memory_space<hbm>>
      %dma_wait3A_27 = arith.constant 0 : i32
      %dma_wait3A_28 = arith.constant 0 : i32
      %dma_wait3A_29 = tpu.memref_slice %arg3[%add3A, %dma_wait3A_27, %dma_wait3A_28] : memref<32x125x80xi32, #tpu.memory_space<hbm>> -> memref<1x125x80xi32, #tpu.memory_space<hbm>>
      %dma_wait3A_30 = tpu.memref_squeeze %dma_wait3A_29 : memref<1x125x80xi32, #tpu.memory_space<hbm>> -> memref<125x80xi32, #tpu.memory_space<hbm>>
      tpu.wait_dma2 semaphore(%run_scoped3A : memref<!tpu.dma_semaphore, #tpu.memory_space<semaphore_mem>>) src(%dma_wait3A_30 : memref<125x80xi32, #tpu.memory_space<hbm>>) dst(%arg6 : memref<125x80xi32, #tpu.memory_space<vmem>>)
      tpu.yield
    }) : () -> ()
    %barrier3A = arith.constant 0 : index
    tpu.barrier barrier_id(%barrier3A)
    %scan3A = arith.constant 0 : i32
    %scan3A_7 = arith.constant 0 : i32
    %scan3A_8 = arith.constant 125 : i32
    %scan3A_9 = arith.addi %scan3A_7, %scan3A_8 : i32
    %scan3A_10 = arith.constant 1 : i32
    scf.for %scan3A_17 = %scan3A_7 to %scan3A_9 step %scan3A_10  : i32 {
      %mul3A_18 = arith.constant 80 : i32
      %mul3A_19 = arith.muli %scan3A_17, %mul3A_18 : i32
      %add3A_20 = arith.addi %mul3A_2, %mul3A_19 : i32
      "tpu.region"() ({
        %run_scoped3A = tpu.sem_alloc : memref<!tpu.dma_semaphore, #tpu.memory_space<semaphore_mem>>
        %dma_start3A = arith.constant 0 : i32
        %dma_start3A_28 = tpu.memref_slice %arg2[%add3A_20, %dma_start3A] : memref<320000x128xf32, #tpu.memory_space<hbm>> -> memref<80x128xf32, #tpu.memory_space<hbm>>
        %dma_start3A_29 = arith.constant 0 : i32
        %dma_start3A_30 = tpu.memref_slice %arg2[%add3A_20, %dma_start3A_29] : memref<320000x128xf32, #tpu.memory_space<hbm>> -> memref<80x128xf32, #tpu.memory_space<hbm>>
        tpu.enqueue_dma source(%dma_start3A_30 : memref<80x128xf32, #tpu.memory_space<hbm>>) target(%arg7 : memref<80x128xf32, #tpu.memory_space<vmem>>) target_semaphore(%run_scoped3A : memref<!tpu.dma_semaphore, #tpu.memory_space<semaphore_mem>>)
        %dma_wait3A = arith.constant 0 : i32
        %dma_wait3A_31 = tpu.memref_slice %arg2[%add3A_20, %dma_wait3A] : memref<320000x128xf32, #tpu.memory_space<hbm>> -> memref<80x128xf32, #tpu.memory_space<hbm>>
        %dma_wait3A_32 = arith.constant 0 : i32
        %dma_wait3A_33 = tpu.memref_slice %arg2[%add3A_20, %dma_wait3A_32] : memref<320000x128xf32, #tpu.memory_space<hbm>> -> memref<80x128xf32, #tpu.memory_space<hbm>>
        tpu.wait_dma2 semaphore(%run_scoped3A : memref<!tpu.dma_semaphore, #tpu.memory_space<semaphore_mem>>) src(%dma_wait3A_33 : memref<80x128xf32, #tpu.memory_space<hbm>>) dst(%arg7 : memref<80x128xf32, #tpu.memory_space<vmem>>)
        tpu.yield
      }) : () -> ()
      %scan3A_21 = arith.constant 0 : i32
      %mul3A_22 = arith.constant 80 : i32
      %mul3A_23 = arith.muli %scan3A_21, %mul3A_22 : i32
      %mul3A_24 = arith.constant 1 : i32
      %mul3A_25 = arith.muli %scan3A_17, %mul3A_24 : i32
      %add3A_26 = arith.addi %mul3A_25, %scan3A_21 : i32
      "tpu.region"() ({
        %run_scoped3A = tpu.sem_alloc : memref<!tpu.dma_semaphore, #tpu.memory_space<semaphore_mem>>
        %dma_start3A = arith.constant 0 : i32
        %dma_start3A_28 = tpu.memref_slice %arg7[%mul3A_23, %dma_start3A] : memref<80x128xf32, #tpu.memory_space<vmem>> -> memref<80x128xf32, #tpu.memory_space<vmem>>
        %dma_start3A_29 = arith.constant 0 : i32
        %dma_start3A_30 = tpu.memref_slice %arg6[%add3A_26, %dma_start3A_29] : memref<125x80xi32, #tpu.memory_space<vmem>> -> memref<1x80xi32, #tpu.memory_space<vmem>>
        %dma_start3A_31 = tpu.memref_squeeze %dma_start3A_30 : memref<1x80xi32, #tpu.memory_space<vmem>> -> memref<80xi32, #tpu.memory_space<vmem>>
        %dma_start3A_32 = arith.constant 0 : i32
        %dma_start3A_33 = arith.constant 0 : i32
        %dma_start3A_34 = tpu.memref_slice %arg8[%dma_start3A_32, %dma_start3A_33] : memref<10240x128xf32, #tpu.memory_space<vmem_shared>> -> memref<10240x128xf32, #tpu.memory_space<vmem_shared>>
        tpu.enqueue_indirect_dma source(%dma_start3A_28 : memref<80x128xf32, #tpu.memory_space<vmem>>) target(%dma_start3A_34 : memref<10240x128xf32, #tpu.memory_space<vmem_shared>>) offsets(%dma_start3A_31 : memref<80xi32, #tpu.memory_space<vmem>>) semaphore(%run_scoped3A : memref<!tpu.dma_semaphore, #tpu.memory_space<semaphore_mem>>) {add = true}
        %dma_wait3A = arith.constant 0 : i32
        %dma_wait3A_35 = tpu.memref_slice %arg7[%mul3A_23, %dma_wait3A] : memref<80x128xf32, #tpu.memory_space<vmem>> -> memref<80x128xf32, #tpu.memory_space<vmem>>
        %dma_wait3A_36 = arith.constant 0 : i32
        %dma_wait3A_37 = tpu.memref_slice %arg6[%add3A_26, %dma_wait3A_36] : memref<125x80xi32, #tpu.memory_space<vmem>> -> memref<1x80xi32, #tpu.memory_space<vmem>>
        %dma_wait3A_38 = tpu.memref_squeeze %dma_wait3A_37 : memref<1x80xi32, #tpu.memory_space<vmem>> -> memref<80xi32, #tpu.memory_space<vmem>>
        %dma_wait3A_39 = arith.constant 0 : i32
        %dma_wait3A_40 = arith.constant 0 : i32
        %dma_wait3A_41 = tpu.memref_slice %arg8[%dma_wait3A_39, %dma_wait3A_40] : memref<10240x128xf32, #tpu.memory_space<vmem_shared>> -> memref<10240x128xf32, #tpu.memory_space<vmem_shared>>
        tpu.wait_indirect_dma semaphore(%run_scoped3A : memref<!tpu.dma_semaphore, #tpu.memory_space<semaphore_mem>>) src(%dma_wait3A_35 : memref<80x128xf32, #tpu.memory_space<vmem>>) dst(%dma_wait3A_41 : memref<10240x128xf32, #tpu.memory_space<vmem_shared>>)
        tpu.yield
      }) : () -> ()
      %scan3A_27 = arith.constant 1 : i32
    }
    %scan3A_11 = arith.constant 125 : i32
    %barrier3A_12 = arith.constant 0 : index
    tpu.barrier barrier_id(%barrier3A_12)
    %mul3A_13 = arith.constant 640 : i32
    %mul3A_14 = arith.muli %arg1, %mul3A_13 : i32
    %mul3A_15 = arith.constant 640 : i32
    %mul3A_16 = arith.muli %arg1, %mul3A_15 : i32
    "tpu.region"() ({
      %run_scoped3A = tpu.sem_alloc : memref<!tpu.dma_semaphore, #tpu.memory_space<semaphore_mem>>
      %dma_start3A = arith.constant 0 : i32
      %dma_start3A_17 = arith.constant 0 : i32
      %dma_start3A_18 = tpu.memref_slice %arg5[%arg0, %dma_start3A, %dma_start3A_17] : memref<2x10240x128xf32, #tpu.memory_space<hbm>> -> memref<1x10240x128xf32, #tpu.memory_space<hbm>>
      %dma_start3A_19 = tpu.memref_squeeze %dma_start3A_18 : memref<1x10240x128xf32, #tpu.memory_space<hbm>> -> memref<10240x128xf32, #tpu.memory_space<hbm>>
      %dma_start3A_20 = arith.constant 0 : i32
      %dma_start3A_21 = tpu.memref_slice %dma_start3A_19[%mul3A_16, %dma_start3A_20] : memref<10240x128xf32, #tpu.memory_space<hbm>> -> memref<640x128xf32, #tpu.memory_space<hbm>>
      %dma_start3A_22 = arith.constant 0 : i32
      %dma_start3A_23 = tpu.memref_slice %arg8[%mul3A_14, %dma_start3A_22] : memref<10240x128xf32, #tpu.memory_space<vmem_shared>> -> memref<640x128xf32, #tpu.memory_space<vmem_shared>>
      tpu.enqueue_dma source(%dma_start3A_23 : memref<640x128xf32, #tpu.memory_space<vmem_shared>>) target(%dma_start3A_21 : memref<640x128xf32, #tpu.memory_space<hbm>>) target_semaphore(%run_scoped3A : memref<!tpu.dma_semaphore, #tpu.memory_space<semaphore_mem>>)
      %dma_wait3A = arith.constant 0 : i32
      %dma_wait3A_24 = arith.constant 0 : i32
      %dma_wait3A_25 = tpu.memref_slice %arg5[%arg0, %dma_wait3A, %dma_wait3A_24] : memref<2x10240x128xf32, #tpu.memory_space<hbm>> -> memref<1x10240x128xf32, #tpu.memory_space<hbm>>
      %dma_wait3A_26 = tpu.memref_squeeze %dma_wait3A_25 : memref<1x10240x128xf32, #tpu.memory_space<hbm>> -> memref<10240x128xf32, #tpu.memory_space<hbm>>
      %dma_wait3A_27 = arith.constant 0 : i32
      %dma_wait3A_28 = tpu.memref_slice %dma_wait3A_26[%mul3A_16, %dma_wait3A_27] : memref<10240x128xf32, #tpu.memory_space<hbm>> -> memref<640x128xf32, #tpu.memory_space<hbm>>
      %dma_wait3A_29 = arith.constant 0 : i32
      %dma_wait3A_30 = tpu.memref_slice %arg8[%mul3A_14, %dma_wait3A_29] : memref<10240x128xf32, #tpu.memory_space<vmem_shared>> -> memref<640x128xf32, #tpu.memory_space<vmem_shared>>
      tpu.wait_dma2 semaphore(%run_scoped3A : memref<!tpu.dma_semaphore, #tpu.memory_space<semaphore_mem>>) src(%dma_wait3A_30 : memref<640x128xf32, #tpu.memory_space<vmem_shared>>) dst(%dma_wait3A_28 : memref<640x128xf32, #tpu.memory_space<hbm>>)
      tpu.yield
    }) : () -> ()
    return
  }
}

module attributes {stable_mosaic.version = 14 : i64} {
  func.func @_combine_kernel(%arg0: i32, %arg1: memref<2x1000x128xf32, #tpu.memory_space<vmem>>, %arg2: memref<1000x128xf32, #tpu.memory_space<vmem>>) attributes {dimension_semantics = [#tpu.dimension_semantics<arbitrary>], iteration_bounds = array<i64: 10>, scalar_prefetch = 0 : i64, scratch_operands = 0 : i64, tpu.core_type = #tpu.core_type<tc>, window_params = [{transform_indices = @transform_0, window_bounds = array<i64: 2, 1000, 128>}, {transform_indices = @transform_1, window_bounds = array<i64: 1000, 128>}]} {
    %get3A = arith.constant 0 : index
    %get3A_0 = arith.constant 0 : index
    %get3A_1 = arith.constant 0 : index
    %get3A_2 = vector.load %arg1[%get3A, %get3A_0, %get3A_1] : memref<2x1000x128xf32, #tpu.memory_space<vmem>>, vector<1x1000x128xf32>
    %get3A_3 = vector.shape_cast %get3A_2 : vector<1x1000x128xf32> to vector<1000x128xf32>
    %get3A_4 = arith.constant 1 : index
    %get3A_5 = arith.constant 0 : index
    %get3A_6 = arith.constant 0 : index
    %get3A_7 = vector.load %arg1[%get3A_4, %get3A_5, %get3A_6] : memref<2x1000x128xf32, #tpu.memory_space<vmem>>, vector<1x1000x128xf32>
    %get3A_8 = vector.shape_cast %get3A_7 : vector<1x1000x128xf32> to vector<1000x128xf32>
    %add3A = arith.addf %get3A_3, %get3A_8 : vector<1000x128xf32>
    %swap3A = arith.constant 0 : index
    %swap3A_9 = arith.constant 0 : index
    %swap3A_10 = vector.load %arg2[%swap3A, %swap3A_9] : memref<1000x128xf32, #tpu.memory_space<vmem>>, vector<1000x128xf32>
    tpu.vector_store %arg2[%swap3A, %swap3A_9], %add3A {strides = array<i32>} : memref<1000x128xf32, #tpu.memory_space<vmem>>, vector<1000x128xf32>,
    return
  }
  func.func @transform_0(%arg0: i32) -> (i32, i32, i32) {
    %c0_i32 = arith.constant 0 : i32
    %c0_i32_0 = arith.constant 0 : i32
    %c0_i32_1 = arith.constant 0 : i32
    return %c0_i32, %arg0, %c0_i32_0 : i32, i32, i32
  }
  func.func @transform_1(%arg0: i32) -> (i32, i32) {
    %c0_i32 = arith.constant 0 : i32
    %c0_i32_0 = arith.constant 0 : i32
    return %arg0, %c0_i32 : i32, i32
  }
}

</mosaic_0001>

<sc_bundles>
// kernel: kernel.4.cloned.1.call-start
scs
__scs_entry_jumppad:
0x0: {  	(pc) =	sbr.rel $0x88, $3  }
0x1: {  	(tag) =	ssettag $0x0;
	lr =	simm.s32 $0x1  }
0x2: {  	[smem:$0x3F9F] =	sst lr;
	_ =	strace $0xD0000000  }
0x3: {  	_ = 	snop  }
0x4: {  	_ = 	snop  }
0x5: {  	_ = 	snop  }
0x6: {  	_ = 	snop  }
0x7: {  	_ = 	snop  }
__scs_overlays_trampoline_lowered:
0x8: {  	[smem:$0x3FAE] =	sst s0  }
0x9: {  	[smem:$0x3FAF] =	sst s1  }
0xa: {  	[smem:$0x3FB0] =	sst s2  }
0xb: {  	[smem:$0x3FB1] =	sst s3  }
0xc: {  	[smem:$0x3FB2] =	sst s4  }
0xd: {  	[smem:$0x3FB3] =	sst s5  }
0xe: {  	[smem:$0x3FB4] =	sst s6  }
0xf: {  	[smem:$0x3FB5] =	sst s7  }
0x10: {  	[smem:$0x3FB6] =	sst s8  }
0x11: {  	[smem:$0x3FB7] =	sst s9;
	s0 =	simm.s32 @!p0 $0x0  }
0x12: {  	s1 =	sld [smem:$0x3F9D];
	s0 =	simm.s32 @p0 $0x1  }
0x13: {  	[smem:$0x3FB8] =	sst s0;
	s0 =	simm.s32 @!p1 $0x0  }
0x14: {  	s2 =	sld [smem:$0x3F9C];
	s0 =	simm.s32 @p1 $0x1  }
0x15: {  	[smem:$0x3FB9] =	sst s0;
	s0 =	simm.s32 @!p2 $0x0  }
0x16: {  	s3 =	sld [smem:$0x3FDB];
	s0 =	simm.s32 @p2 $0x1  }
0x17: {  	s4 =	simm.s32 $0x1BF5;
	[smem:$0x3FBB] =	sst s0  }
0x18: {  	s0 =	sld [smem:$0x3F9E];
	_ =	swait.ge [sflag:s4], $0x0  }
0x19: {  	s7 =	sld [smem:$0x3F9F]  }
0x1a: {  	s8 =	sadd.s32 $0xFFFFE003, lr  }
0x1b: {  	s9 =	sadd.s32 $0xFFFFFEF7, lr;
	s5 =	simm.s32 $0xFFFFFFFF;
	p2 =	slt.u32 s8, $0xFFFFF086  }
0x1c: {  	p1 =	slt.u32 s9, $0xF7A;
	s5 =	simm.s32 @!p2 $0x0  }
0x1d: {  	s5 =	simm.s32 @p1 $0x1;
	p0 =	seq.s32 s7, s2  }
0x1e: {  	s7 =	smul.u32 @!p0 $0xF7A, s2;
	p2 =	seq.s32 @!p0 s5, $0x0  }
0x1f: {  	s9 =	smul.u32 $0xF7A, s1;
	s8 =	simm.s32 @!p0 $0x1BF5;
	p2 =	por !p2, p0  }
0x20: {  	[sflag:s8] =	ssyncset.s32 @!p0 $0xFFFFF086;
	s6 =	sadd.s32 @!p0 s3, s7;
	s7 =	simm.s32 @!p0 $0x108  }
0x21: {  	s3 =	sadd.s32 s3, s9;
	s6 =	sadd.s32 @!p0 $0x88, s6;
	s7 =	simm.s32 @p2 $0x1082  }
0x22: {  	[simem:s7], [sflag:s8] =	dma.local @!p0 [hbm:s6], $0xF7A  }
0x23: {  	s9 =	sor.u32 $0xD0000000, s2;
	s6 =	simm.s32 $0x108;
	_ =	swait.ge @!p0 [sflag:s8], $0x0  }
0x24: {  	s3 =	sadd.s32 $0x88, s3;
	s6 =	simm.s32 @!p1 $0x1082;
	[sflag:s4] =	ssyncset.s32 $0xFFFFF086  }
0x25: {  	[simem:s6], [sflag:s4] =	dma.local [hbm:s3], $0xF7A  }
0x26: {  	[smem:$0x3F9F] =	sst s1;
	(tag) =	ssettag s2;
	_ =	strace s9  }
0x27: {  	s1 =	sld [smem:$0x3FAF]  }
0x28: {  	s2 =	sld [smem:$0x3FB0]  }
0x29: {  	s4 =	sld [smem:$0x3FB2]  }
0x2a: {  	p0 =	seq.s32 s5, $0x0;
	s5 =	sld [smem:$0x3FB3]  }
0x2b: {  	s6 =	sld [smem:$0x3FB4]  }
0x2c: {  	s7 =	sld [smem:$0x3FB5]  }
0x2d: {  	s3 =	simm.s32 $0x108;
	s8 =	sld [smem:$0x3FB6]  }
0x2e: {  	s3 =	simm.s32 @!p0 $0x1082;
	s9 =	sld [smem:$0x3FB7]  }
0x2f: {  	lr =	sadd.s32 s0, s3;
	s0 =	sld [smem:$0x3FAE]  }
0x30: {  	s3 =	sld [smem:$0x3FB1]  }
0x31: {  	[smem:$0x3FBA] =	sst s10  }
0x32: {  	s10 =	sld [smem:$0x3FB8];
	_ =	sdelay $0x3  }
0x33: {  	p0 =	seq.s32 s10, $0x1;
	s10 =	sld [smem:$0x3FBA];
	_ =	sdelay $0x3  }
0x34: {  	[smem:$0x3FBA] =	sst s10  }
0x35: {  	s10 =	sld [smem:$0x3FB9];
	_ =	sdelay $0x3  }
0x36: {  	p1 =	seq.s32 s10, $0x1;
	s10 =	sld [smem:$0x3FBA];
	_ =	sdelay $0x3  }
0x37: {  	[smem:$0x3FBA] =	sst s10  }
0x38: {  	s10 =	sld [smem:$0x3FBB]  }
0x39: {  	_ = 	snop;
	(pc) =	sbr.ind lr, $3  }
0x3a: {  	_ = 	snop  }
0x3b: {  	_ = 	snop  }
0x3c: {  	p2 =	seq.s32 s10, $0x1;
	s10 =	sld [smem:$0x3FBA]  }
0x3d: {  	_ =	shalt  }
0x3e: {  	_ =	shalt  }
0x3f: {  	_ =	shalt  }
0x40: {  	_ =	shalt  }
0x41: {  	_ =	shalt  }
0x42: {  	_ =	shalt  }
0x43: {  	_ =	shalt  }
0x44: {  	_ =	shalt  }
0x45: {  	_ =	shalt  }
0x46: {  	_ =	shalt  }
0x47: {  	_ =	shalt  }
0x48: {  	_ =	shalt  }
0x49: {  	_ =	shalt  }
0x4a: {  	_ =	shalt  }
0x4b: {  	_ =	shalt  }
0x4c: {  	_ =	shalt  }
0x4d: {  	_ =	shalt  }
0x4e: {  	_ =	shalt  }
0x4f: {  	_ =	shalt  }
0x50: {  	_ =	shalt  }
0x51: {  	_ =	shalt  }
0x52: {  	_ =	shalt  }
0x53: {  	_ =	shalt  }
0x54: {  	_ =	shalt  }
0x55: {  	_ =	shalt  }
0x56: {  	_ =	shalt  }
0x57: {  	_ =	shalt  }
0x58: {  	_ =	shalt  }
0x59: {  	_ =	shalt  }
0x5a: {  	_ =	shalt  }
0x5b: {  	_ =	shalt  }
0x5c: {  	_ =	shalt  }
0x5d: {  	_ =	shalt  }
0x5e: {  	_ =	shalt  }
0x5f: {  	_ =	shalt  }
0x60: {  	_ =	shalt  }
0x61: {  	_ =	shalt  }
0x62: {  	_ =	shalt  }
0x63: {  	_ =	shalt  }
0x64: {  	_ =	shalt  }
0x65: {  	_ =	shalt  }
0x66: {  	_ =	shalt  }
0x67: {  	_ =	shalt  }
0x68: {  	_ =	shalt  }
0x69: {  	_ =	shalt  }
0x6a: {  	_ =	shalt  }
0x6b: {  	_ =	shalt  }
0x6c: {  	_ =	shalt  }
0x6d: {  	_ =	shalt  }
0x6e: {  	_ =	shalt  }
0x6f: {  	_ =	shalt  }
0x70: {  	_ =	shalt  }
0x71: {  	_ =	shalt  }
0x72: {  	_ =	shalt  }
0x73: {  	_ =	shalt  }
0x74: {  	_ =	shalt  }
0x75: {  	_ =	shalt  }
0x76: {  	_ =	shalt  }
0x77: {  	_ =	shalt  }
0x78: {  	_ =	shalt  }
0x79: {  	_ =	shalt  }
0x7a: {  	_ =	shalt  }
0x7b: {  	_ =	shalt  }
0x7c: {  	_ =	shalt  }
0x7d: {  	_ =	shalt  }
0x7e: {  	_ =	shalt  }
0x7f: {  	_ =	shalt  }
0x80: {  	_ =	shalt  }
0x81: {  	_ =	shalt  }
0x82: {  	_ =	shalt  }
0x83: {  	_ =	shalt  }
0x84: {  	_ =	shalt  }
0x85: {  	_ =	shalt  }
0x86: {  	_ =	shalt  }
0x87: {  	_ =	shalt  }
.Lfunc_end0:
.L_simem_size_0:
called_computation_lowered:
.L_overlay_start_0:
0x88: {  	s2 =	sld [smem:$0x3FD9]  }
0x89: {  	s3 =	sld [smem:$0x3FFE];
	_ =	sdelay $0x1  }
0x8a: {  	s1 =	srdreg.scid  }
0x8b: {  	s0 =	sand.u32 $0x1, s1  }
0x8c: {  	s17 =	sshll.u32 s0, $0xA;
	s2 =	sadd.s32 s3, s2  }
0x8d: {  	s2 =	sadd.s32 s2, s17  }
0x8e: {  	[smem:$0x3FC6] =	sst s2  }
0x8f: {  	_ = 	snop  }
0x90: {  	s2 =	sld [smem:$0x3FC9]  }
0x91: {  	s18 =	sld [smem:$0x3FD0];
	(tm) =	ssettm $0x1  }
0x92: {  	s4 =	sld [smem:$0x3FFB];
	_ =	sdelay $0x3  }
0x93: {  	_ =	strace s4  }
0x94: {  	s4 =	sld [smem:$0x3FFC];
	_ =	sdelay $0x3  }
0x95: {  	_ =	strace s4  }
0x96: {  	s4 =	sld [smem:$0x3FFD];
	_ =	sdelay $0x3  }
0x97: {  	_ =	strace s4  }
0x98: {  	_ =	strace $0x8FFFFFFF  }
0x99: {  	s19 =	sld [smem:$0x3FDB];
	_ =	sdelay $0x1  }
0x9a: {  	s5 =	simm.s32 $_scs_section_size  }
0x9b: {  	s6 =	simm.s32 $_size__tile_overlayer_lowered;
	s7 =	simm.s32 $_tile_overlayer_lowered  }
0x9c: {  	s22 =	simm.s32 $0x1BFF;
	s21 =	sshll.u32 s7, $0x1;
	s4 =	sadd.s32 s5, s19  }
0x9d: {  	s8 =	simm.s32 $0x0;
	s20 =	sshll.u32 s6, $0x1;
	s6 =	sadd.s32 s21, s4  }
0x9e: {  	[timem:s8], [sflag:s22] =	dma.local [hbm:s6], s20  }
0x9f: {  	_ =	swait.ge [sflag:s22], s20  }
0xa0: {  	s5 =	ssub.s32 $0x0, s20;
	[sflag:s22] =	ssyncset.done $0x0  }
0xa1: {  	[sflag:s22] =	ssyncadd.s32 s5;
	_ =	sdelay $0x1  }
0xa2: {  	s23 =	simm.s32 $0x1B8B  }
0xa3: {  	_ =	swait.ge [sflag:s23], $0x1  }
0xa4: {  	[sflag:s23] =	ssyncset.done $0x0  }
0xa5: {  	s25 =	simm.s32 $0x1B8E;
	s24 =	sld [smem:$0x3FFE];
	[sflag:s23] =	ssyncadd.s32 $0xFFFFFFFF  }
0xa6: {  	s26 =	simm.s32 $execute0_lowered;
	[smem:$0x3FD2] =	sst s25  }
0xa7: {  	s6 =	sshll.u32 s26, $0x1;
	_ =	strace $0x80000046;
	[dreg:$0x1] =	wrdreg $0xFFFFFFFF  }
0xa8: {  	s28 =	simm.s32 $_size_execute0_lowered;
	s4 =	sadd.s32 s4, s6;
	[dreg:$0x0] =	wrdreg $0x0  }
0xa9: {  	s6 =	sshll.u32 s28, $0x1;
	[dreg:$0x2] =	wrdreg s4  }
0xaa: {  	[dreg:$0x3] =	wrdreg s6  }
0xab: {  	[dreg:$0x4] =	wrdreg $0xC0  }
0xac: {  	_ =	task [dreg:s8], $0x5FFFF  }
0xad: {  	[dreg:$0x1] =	wrdreg $0xFFFFFFFF  }
0xae: {  	[dreg:$0x0] =	wrdreg $0x60  }
0xaf: {  	[dreg:$0x2] =	wrdreg s2  }
0xb0: {  	[dreg:$0x3] =	wrdreg s18  }
0xb1: {  	[dreg:$0x4] =	wrdreg s24  }
0xb2: {  	[dreg:$0x5] =	wrdreg $0x68000  }
0xb3: {  	[dreg:$0x6] =	wrdreg $0x9  }
0xb4: {  	_ =	task.clear_ibuf [dreg:s8], $0x7FFFF;
	_ =	strace $0x90000046  }
0xb5: {  	s29 =	simm.s32 $0x9;
	_ =	strace $0x80000048  }
0xb6: {  	_ =	swait.ge [sflag:s29], $0x1  }
0xb7: {  	[sflag:s29] =	ssyncadd.s32 $0xFFFFFFFF  }
0xb8: {  	_ =	strace $0x90000048  }
0xb9: {  	_ =	sfence  }
0xba: {  	s30 =	sld [smem:$0x0];
	_ =	sdelay $0x2  }
0xbb: {  	s31 =	sshll.u32 s1, $0xD;
	s1 =	sshrl.u32 s1, $0x2  }
0xbc: {  	s3 =	sand.u32 $0x4000, s31;
	s1 =	sadd.s32 s1, s30  }
0xbd: {  	s0 =	sor.u32 s3, s0;
	s1 =	sshll.u32 s1, $0x11  }
0xbe: {  	s0 =	sor.u32 s1, s0  }
0xbf: {  	s0 =	sadd.s32 $0x8F2B, s0  }
0xc0: {  	[sflag:s0] =	ssyncadd.remote.s32 $0x1  }
0xc1: {  	_ =	sfence.sel $0xFFFF  }
0xc2: {  	[dreg:$0x0] =	wrdreg $0xFFFFFFFF;
	(pc) =	sbr.abs _section_cstart, $3  }
0xc3: {  	[dreg:$0x1] =	wrdreg $0xFFFFFFFF  }
0xc4: {  	_ =	task.clear_ibuf [dreg:s8], $0x2FFFF;
	_ =	strace $0x9FFFFFFF  }
0xc5: {  	(tm) =	ssettm $0x7FFFFFFF  }
tec
execute0_lowered:
.L_overlay_start_1:
0x0: {  	(tag) =	ssettag $0x1  }
0x1: {  	s7 =	rddreg [dreg:$0x0]  }
0x2: {  	s6 =	rddreg [dreg:$0x1]  }
0x3: {  	s4 =	rddreg [dreg:$0x2]  }
0x4: {  	s0 =	stileid.u32;
	s1 =	srdreg.scid  }
0x5: {  	s2 =	rddreg [dreg:$0x3];
	s3 =	simm.s32 $0x0;
	s13 =	smul.u32 $0x2800, s0  }
0x6: {  	s5 =	sand.u32 $0x1, s1;
	s1 =	rddreg [dreg:$0x4];
	s9 =	smul.u32 $0x50000, s0  }
0x7: {  	[smem:$0x7FF] =	sst s3;
	s29 =	smul.u32 $0x27100, s0  }
0x8: {  	s26 =	sshll.u32 s0, $0xB;
	s28 =	sshll.u32 s0, $0x6;
	s8 =	smul.u32 $0x28000, s5  }
0x9: {  	_ =	strace $0x80000047;
	s11 =	ssub.s32 $0x2, s5;
	s12 =	sshll.u32 s5, $0xF  }
0xa: {  	s14 =	smul.u32 $0x271000, s5;
	s5 =	sor.u32 $0x1C01, s28;
	s10 =	sadd.s32 s13, s4  }
0xb: {  	s25 =	sshrl.u32 s11, $0x1;
	s9 =	sshrl.u32 s9, $0x2;
	s8 =	sadd.s32 s8, s4  }
0xc: {  	s11 =	ssub.s32 s11, s25;
	s9 =	sadd.s32 s9, s2;
	s4 =	sadd.s32 $0x600, s10  }
0xd: {  	s10 =	sor.u32 s26, s12;
	s30 =	sadd.s32 s14, s7;
	s12 =	simm.s32 $0x50  }
0xe: {  	s14 =	simm.s32 $0x0;
	s6 =	sadd.s32 s6, s10;
	s31 =	sadd.s32 $0x28600, s8  }
0xf: {  	s7 =	smax.u32 s11, $0x1;
	s8 =	sadd.s32 s29, s30;
	s9 =	sshrl.u32 s9, $0x3  }
0x10: {  	s10 =	simm.s32 $0x1;
	s11 =	simm.s32 $0x4000;
	s13 =	sadd.s32 s13, s31  }
.LBB2_1:
0x11: {  	[spmem:s9], [sflag:s5] =	dma.local [hbm:s4], $0x2800  }
0x12: {  	_ =	swait.ge [sflag:s10], $0x2800  }
0x13: {  	[sflag:s10] =	ssyncset.done $0x0  }
0x14: {  	[sflag:s10] =	ssyncadd.s32 $0xFFFFD800  }
0x15: {  	[tilespmem:s3], [sflag:$0x1] =	stream.linear.gather [hbm4b:s6+s3], $0x3E80, $0x38;
	[tilespmem:$0x1A800] =	vst v63  }
0x16: {  	_ =	swait.ge [sflag:s10], $0x3E80  }
0x17: {  	[sflag:s10] =	ssyncset.done $0x0  }
0x18: {  	[sflag:s10] =	ssyncadd.s32 $0xFFFFC180  }
0x19: {  	[bflag:$0x0] =	sbarrier.arrive $0xFFFF  }
0x1a: {  	[tilespmem:s11], [sflag:$0x1] =	stream.linear.gather [hbm4b:s8+s3], $0x2800, $0x38;
	[tilespmem:$0x1A800] =	vst v63  }
0x1b: {  	_ =	swait.ge [sflag:s10], $0x2800  }
0x1c: {  	[sflag:s10] =	ssyncset.done $0x0  }
0x1d: {  	s15 =	simm.s32 $0x0;
	[sflag:s10] =	ssyncadd.s32 $0xFFFFD800  }
0x1e: {  	[spmem:s2] =	stream.indirect.scatter.add.f32 [tilespmem:s11], [sflag:$0x1], $0x80, s15, s12, $0xb8;
	[tilespmem:$0x1A800] =	vst v63  }
0x1f: {  	_ =	swait.ge [sflag:s10], $0x2800  }
0x20: {  	s16 =	smov.u32 s8;
	s15 =	simm.s32 $0x200;
	[sflag:s10] =	ssyncset.done $0x0  }
.LBB2_2:
0x21: {  	p0 =	sne.s32 s15, $0xF800;
	[sflag:s10] =	ssyncadd.s32 $0xFFFFD800;
	s16 =	sadd.s32 $0x500, s16  }
0x22: {  	[tilespmem:s11], [sflag:$0x1] =	stream.linear.gather [hbm4b:s16+s3], $0x2800, $0x38;
	[tilespmem:$0x1A800] =	vst v63  }
0x23: {  	s17 =	smov.u32 s15;
	s15 =	sadd.s32 $0x200, s15;
	_ =	swait.ge [sflag:s10], $0x2800  }
.Ltmp0:
0x24: {  	[sflag:s10] =	ssyncset.done $0x0;
	(pc) =	sbr.rel @p0 .LBB2_2-.Ltmp0, $4  }
0x25: {  	s17 =	sshra.s32 s17, $0x2;
	[sflag:s10] =	ssyncadd.s32 $0xFFFFD800  }
0x26: {  	[spmem:s2] =	stream.indirect.scatter.add.f32 [tilespmem:s11], [sflag:$0x1], $0x80, s17, s12, $0xb8;
	[tilespmem:$0x1A800] =	vst v63  }
0x27: {  	_ =	swait.ge [sflag:s10], $0x2800  }
0x28: {  	[sflag:s10] =	ssyncset.done $0x0  }
0x29: {  	s14 =	sadd.s32 $0x1, s14  }
0x2a: {  	[sflag:s10] =	ssyncadd.s32 $0xFFFFD800;
	p0 =	sne.s32 s14, s7  }
.Ltmp1:
0x2b: {  	[bflag:$0x0] =	sbarrier.arrive $0xFFFF;
	(pc) =	sbr.rel @p0 .LBB2_1-.Ltmp1, $4  }
0x2c: {  	[hbm:s13], [sflag:s5] =	dma.local [spmem:s9], $0x2800  }
0x2d: {  	_ =	swait.ge [sflag:s10], $0x2800  }
0x2e: {  	[sflag:s10] =	ssyncset.done $0x0  }
0x2f: {  	[sflag:s10] =	ssyncadd.s32 $0xFFFFD800  }
0x30: {  	_ =	sfence.sel $0x180000  }
0x31: {  	[bflag:$0x0] =	sbarrier.arrive $0xFFFF  }
0x32: {  	p0 =	sne.s32 s0, $0x0;
	_ =	strace $0x90000047  }
0x33: {  	s0 =	sadd.s32 @!p0 $0x100000, s1;
	[bflag:$0x2] =	sbarrier.arrive $0xFFFF  }
0x34: {  	[sflag:s0] =	ssyncadd.tile.s32 @!p0 $0x1;
	_ =	shalt  }
.Lfunc_end2:
_tile_overlayer_lowered:
.L_overlay_start_2:
0x35: {  	(tag) =	ssettag $0x2  }
0x36: {  	s0 =	rddreg [dreg:$0x0];
	s2 =	stileid.u32  }
0x37: {  	s1 =	rddreg [dreg:$0x1];
	p0 =	sne.s32 s2, $0x0  }
0x38: {  	s3 =	rddreg [dreg:$0x2];
	[bflag:$0x3] =	sbarrier.arrive $0xFFFF;
	s2 =	simm.s32 @!p0 $0x1C01  }
0x39: {  	[timem:s3], [sflag:s2] =	dma.local @!p0 [hbm:s0], s1  }
0x3a: {  	s0 =	simm.s32 @!p0 $0x1  }
0x3b: {  	_ =	swait.ge @!p0 [sflag:s0], s1  }
0x3c: {  	s1 =	ssub.s32 @!p0 $0x0, s1;
	[sflag:s0] =	ssyncset.done @!p0 $0x0  }
0x3d: {  	[sflag:s0] =	ssyncadd.s32 @!p0 s1  }
0x3e: {  	[bflag:$0x3] =	sbarrier.arrive $0xFFFF  }
0x3f: {  	_ =	shalt  }

</sc_bundles>
